<compile_context>
chip_gen: v7x
topology: tpu7x:2x2x1
jax: 0.10.2.dev20260603
libtpu: 0.0.44.dev20260713+nightly
codegen_flags: <defaults>
</compile_context>

<pallas_src>
import jax
import jax.numpy as jnp
from jax.experimental import pallas as pl
from jax.experimental.pallas import tpu as pltpu

B = 128
D_IN = 128
NUM_ATTRS = 8
NUM_ELEMS = 32768
TILE = 8192
TILES = NUM_ELEMS // TILE


def _sampler_kernel(x_ref, w_ref, b_ref, logits_ref, idx_ref, max_s, arg_s):
    i = pl.program_id(0)
    k = pl.program_id(1)
    vals = jnp.dot(x_ref[...], w_ref[...], preferred_element_type=jnp.float32)
    vals = vals + b_ref[...]
    logits_ref[...] = vals

    m = jnp.max(vals, axis=1, keepdims=True)
    a = jnp.argmax(vals, axis=1).astype(jnp.int32)[:, None] + k * TILE

    @pl.when(k == 0)
    def _():
        max_s[...] = m
        arg_s[...] = a

    @pl.when(k != 0)
    def _():
        better = m > max_s[...]
        arg_s[...] = jnp.where(better, a, arg_s[...])
        max_s[...] = jnp.where(better, m, max_s[...])

    del i

    @pl.when(k == TILES - 1)
    def _():
        idx_ref[...] = arg_s[...].reshape(1, 1, B)


def kernel(x, W, b):
    b2 = b.reshape(1, NUM_ATTRS * NUM_ELEMS)
    logits_flat, idx = pl.pallas_call(
        _sampler_kernel,
        grid=(NUM_ATTRS, TILES),
        in_specs=[
            pl.BlockSpec((B, D_IN), lambda i, k: (0, 0)),
            pl.BlockSpec((D_IN, TILE), lambda i, k: (0, i * TILES + k)),
            pl.BlockSpec((1, TILE), lambda i, k: (0, i * TILES + k)),
        ],
        out_specs=[
            pl.BlockSpec((B, TILE), lambda i, k: (0, i * TILES + k)),
            pl.BlockSpec((1, 1, B), lambda i, k: (i, 0, 0)),
        ],
        out_shape=[
            jax.ShapeDtypeStruct((B, NUM_ATTRS * NUM_ELEMS), jnp.float32),
            jax.ShapeDtypeStruct((NUM_ATTRS, 1, B), jnp.int32),
        ],
        scratch_shapes=[
            pltpu.VMEM((B, 1), jnp.float32),
            pltpu.VMEM((B, 1), jnp.int32),
        ],
        compiler_params=pltpu.CompilerParams(
            dimension_semantics=("parallel", "arbitrary"),
        ),
    )(x, W, b2)
    idx = idx.reshape(NUM_ATTRS, B).T
    return idx, logits_flat.reshape(B, NUM_ATTRS, NUM_ELEMS)

# --- scband reference (transcript-rebuilt; emitter-appended) ---
"""Pipeline reference for scband-sampler-59313498357968 (READ-ONLY COPY).

The authoritative reference and input builder live on the scoring server;
editing this copy changes nothing except your own understanding.
"""

import jax, jax.numpy as jnp
import numpy as np

B = 128
D_IN = 128
NUM_ATTRS = 8
NUM_ELEMS = 32768


def setup_inputs(seed: int = 0) -> dict:
    key = jax.random.key(seed)
    k1, k2 = jax.random.split(key, 2)
    x = jax.random.normal(k1, (B, D_IN), dtype=jnp.float32)
    # learned parameters of the wrapped model (nn.Linear(D_IN, NUM_ATTRS*NUM_ELEMS))
    W = jax.random.normal(k2, (D_IN, NUM_ATTRS * NUM_ELEMS), dtype=jnp.float32) * 0.02
    b = jnp.zeros((NUM_ATTRS * NUM_ELEMS,), dtype=jnp.float32)
    return {"x": x, "W": W, "b": b}


def reference(x, W, b):
    # logits = self.model(x)
    logits = x @ W + b
    # logits = logits.reshape(-1, num_attrs, num_elems)
    logits = logits.reshape(-1, NUM_ATTRS, NUM_ELEMS)
    # eval path: x = logits.argmax(dim=-1)
    idx = jnp.argmax(logits, axis=-1)
    return (idx, logits)

if __name__ == "__main__":
    import jax
    _d = setup_inputs()
    print(jax.jit(kernel)(*tuple(_d.values())))

</pallas_src>

<mosaic_0001>
module attributes {stable_mosaic.version = 14 : i64} {
  func.func @_sampler_kernel(%arg0: i32, %arg1: i32, %arg2: memref<128x128xf32, #tpu.memory_space<vmem>>, %arg3: memref<128x8192xf32, #tpu.memory_space<vmem>>, %arg4: memref<1x8192xf32, #tpu.memory_space<vmem>>, %arg5: memref<128x8192xf32, #tpu.memory_space<vmem>>, %arg6: memref<1x1x128xi32, #tpu.memory_space<vmem>>, %arg7: memref<128x1xf32, #tpu.memory_space<vmem>>, %arg8: memref<128x1xi32, #tpu.memory_space<vmem>>) attributes {dimension_semantics = [#tpu.dimension_semantics<parallel>, #tpu.dimension_semantics<arbitrary>], iteration_bounds = array<i64: 8, 4>, scalar_prefetch = 0 : i64, scratch_operands = 2 : i64, tpu.core_type = #tpu.core_type<tc>, window_params = [{pipeline_mode = #tpu.pipeline_mode<synchronous>, transform_indices = @transform_0, window_bounds = array<i64: 128, 128>}, {transform_indices = @transform_1, window_bounds = array<i64: 128, 8192>}, {transform_indices = @transform_2, window_bounds = array<i64: 1, 8192>}, {transform_indices = @transform_3, window_bounds = array<i64: 128, 8192>}, {transform_indices = @transform_4, window_bounds = array<i64: 1, 1, 128>}]} {
    %get3A = arith.constant 0 : index
    %get3A_0 = arith.constant 0 : index
    %get3A_1 = vector.load %arg2[%get3A, %get3A_0] : memref<128x128xf32, #tpu.memory_space<vmem>>, vector<128x128xf32>
    %get3A_2 = arith.constant 0 : index
    %get3A_3 = arith.constant 0 : index
    %get3A_4 = vector.load %arg3[%get3A_2, %get3A_3] : memref<128x8192xf32, #tpu.memory_space<vmem>>, vector<128x8192xf32>
    %dot_general3A = arith.constant dense<0.000000e+00> : vector<128x8192xf32>
    %dot_general3A_5 = tpu.matmul %get3A_1, %get3A_4, %dot_general3A {dimension_numbers = #tpu.dot_dimension_numbers<[1], [0], [0], [1], [0, 0, 1, 1], [], []>, transpose_lhs_hint = false} : vector<128x128xf32>, vector<128x8192xf32>, vector<128x8192xf32> -> vector<128x8192xf32>
    %get3A_6 = arith.constant 0 : index
    %get3A_7 = arith.constant 0 : index
    %get3A_8 = vector.load %arg4[%get3A_6, %get3A_7] : memref<1x8192xf32, #tpu.memory_space<vmem>>, vector<1x8192xf32>
    %add3A = vector.broadcast %get3A_8 : vector<1x8192xf32> to vector<128x8192xf32>
    %add3A_9 = arith.addf %dot_general3A_5, %add3A : vector<128x8192xf32>
    %swap3A = arith.constant 0 : index
    %swap3A_10 = arith.constant 0 : index
    %swap3A_11 = vector.load %arg5[%swap3A, %swap3A_10] : memref<128x8192xf32, #tpu.memory_space<vmem>>, vector<128x8192xf32>
    tpu.vector_store %arg5[%swap3A, %swap3A_10], %add3A_9 {strides = array<i32>} : memref<128x8192xf32, #tpu.memory_space<vmem>>, vector<128x8192xf32>,
    %reduce_max3A = arith.constant dense<0xFF800000> : vector<128xf32>
    %reduce_max3A_12 = vector.multi_reduction <maximumf>, %add3A_9, %reduce_max3A [1] : vector<128x8192xf32> to vector<128xf32>
    %broadcast_in_dim3A = vector.shape_cast %reduce_max3A_12 : vector<128xf32> to vector<128x1xf32>
    %argmax3A = tpu.reduce_index %add3A_9 {axis = 1 : i32, kind = #tpu.reduction_kind<arg_max>} : vector<128x8192xf32> -> vector<128xi32>
    %broadcast_in_dim3A_13 = vector.shape_cast %argmax3A : vector<128xi32> to vector<128x1xi32>
    %mul3A = arith.constant 8192 : i32
    %mul3A_14 = arith.muli %arg1, %mul3A : i32
    %add3A_15 = vector.broadcast %mul3A_14 : i32 to vector<128x1xi32>
    %add3A_16 = arith.addi %broadcast_in_dim3A_13, %add3A_15 : vector<128x1xi32>
    %eq3A = arith.constant 0 : i32
    %eq3A_17 = arith.cmpi eq, %arg1, %eq3A : i32
    %convert_element_type3A = arith.extui %eq3A_17 : i1 to i32
    %cond3A = arith.constant 0 : i32
    %cond3A_18 = arith.cmpi ne, %convert_element_type3A, %cond3A : i32
    scf.if %cond3A_18 {
      %swap3A_28 = arith.constant 0 : index
      %swap3A_29 = arith.constant 0 : index
      %swap3A_30 = vector.load %arg7[%swap3A_28, %swap3A_29] : memref<128x1xf32, #tpu.memory_space<vmem>>, vector<128x1xf32>
      tpu.vector_store %arg7[%swap3A_28, %swap3A_29], %broadcast_in_dim3A {strides = array<i32>} : memref<128x1xf32, #tpu.memory_space<vmem>>, vector<128x1xf32>,
      %swap3A_31 = arith.constant 0 : index
      %swap3A_32 = arith.constant 0 : index
      %swap3A_33 = vector.load %arg8[%swap3A_31, %swap3A_32] : memref<128x1xi32, #tpu.memory_space<vmem>>, vector<128x1xi32>
      tpu.vector_store %arg8[%swap3A_31, %swap3A_32], %add3A_16 {strides = array<i32>} : memref<128x1xi32, #tpu.memory_space<vmem>>, vector<128x1xi32>,
    } else {
    }
    %ne3A = arith.constant 0 : i32
    %ne3A_19 = arith.cmpi ne, %arg1, %ne3A : i32
    %convert_element_type3A_20 = arith.extui %ne3A_19 : i1 to i32
    %cond3A_21 = arith.constant 0 : i32
    %cond3A_22 = arith.cmpi ne, %convert_element_type3A_20, %cond3A_21 : i32
    scf.if %cond3A_22 {
      %get3A_28 = arith.constant 0 : index
      %get3A_29 = arith.constant 0 : index
      %get3A_30 = vector.load %arg7[%get3A_28, %get3A_29] : memref<128x1xf32, #tpu.memory_space<vmem>>, vector<128x1xf32>
      %gt3A = arith.cmpf ogt, %broadcast_in_dim3A, %get3A_30 : vector<128x1xf32>
      %get3A_31 = arith.constant 0 : index
      %get3A_32 = arith.constant 0 : index
      %get3A_33 = vector.load %arg8[%get3A_31, %get3A_32] : memref<128x1xi32, #tpu.memory_space<vmem>>, vector<128x1xi32>
      %select_n3A = arith.select %gt3A, %add3A_16, %get3A_33 : vector<128x1xi1>, vector<128x1xi32>
      %swap3A_34 = arith.constant 0 : index
      %swap3A_35 = arith.constant 0 : index
      %swap3A_36 = vector.load %arg8[%swap3A_34, %swap3A_35] : memref<128x1xi32, #tpu.memory_space<vmem>>, vector<128x1xi32>
      tpu.vector_store %arg8[%swap3A_34, %swap3A_35], %select_n3A {strides = array<i32>} : memref<128x1xi32, #tpu.memory_space<vmem>>, vector<128x1xi32>,
      %get3A_37 = arith.constant 0 : index
      %get3A_38 = arith.constant 0 : index
      %get3A_39 = vector.load %arg7[%get3A_37, %get3A_38] : memref<128x1xf32, #tpu.memory_space<vmem>>, vector<128x1xf32>
      %select_n3A_40 = arith.select %gt3A, %broadcast_in_dim3A, %get3A_39 : vector<128x1xi1>, vector<128x1xf32>
      %swap3A_41 = arith.constant 0 : index
      %swap3A_42 = arith.constant 0 : index
      %swap3A_43 = vector.load %arg7[%swap3A_41, %swap3A_42] : memref<128x1xf32, #tpu.memory_space<vmem>>, vector<128x1xf32>
      tpu.vector_store %arg7[%swap3A_41, %swap3A_42], %select_n3A_40 {strides = array<i32>} : memref<128x1xf32, #tpu.memory_space<vmem>>, vector<128x1xf32>,
    } else {
    }
    %eq3A_23 = arith.constant 3 : i32
    %eq3A_24 = arith.cmpi eq, %arg1, %eq3A_23 : i32
    %convert_element_type3A_25 = arith.extui %eq3A_24 : i1 to i32
    %cond3A_26 = arith.constant 0 : i32
    %cond3A_27 = arith.cmpi ne, %convert_element_type3A_25, %cond3A_26 : i32
    scf.if %cond3A_27 {
      %get3A_28 = arith.constant 0 : index
      %get3A_29 = arith.constant 0 : index
      %get3A_30 = vector.load %arg8[%get3A_28, %get3A_29] : memref<128x1xi32, #tpu.memory_space<vmem>>, vector<128x1xi32>
      %reshape3A = vector.shape_cast %get3A_30 : vector<128x1xi32> to vector<1x1x128xi32>
      %swap3A_31 = arith.constant 0 : index
      %swap3A_32 = arith.constant 0 : index
      %swap3A_33 = arith.constant 0 : index
      %swap3A_34 = vector.load %arg6[%swap3A_31, %swap3A_32, %swap3A_33] : memref<1x1x128xi32, #tpu.memory_space<vmem>>, vector<1x1x128xi32>
      tpu.vector_store %arg6[%swap3A_31, %swap3A_32, %swap3A_33], %reshape3A {strides = array<i32>} : memref<1x1x128xi32, #tpu.memory_space<vmem>>, vector<1x1x128xi32>,
    } else {
    }
    return
  }
  func.func @transform_0(%arg0: i32, %arg1: i32) -> (i32, i32) {
    %c0_i32 = arith.constant 0 : i32
    %c0_i32_0 = arith.constant 0 : i32
    %c0_i32_1 = arith.constant 0 : i32
    return %c0_i32, %c0_i32_0 : i32, i32
  }
  func.func @transform_1(%arg0: i32, %arg1: i32) -> (i32, i32) {
    %mul3A = arith.constant 4 : i32
    %mul3A_0 = arith.muli %arg0, %mul3A : i32
    %add3A = arith.addi %mul3A_0, %arg1 : i32
    %c0_i32 = arith.constant 0 : i32
    %c0_i32_1 = arith.constant 0 : i32
    return %c0_i32, %add3A : i32, i32
  }
  func.func @transform_2(%arg0: i32, %arg1: i32) -> (i32, i32) {
    %mul3A = arith.constant 4 : i32
    %mul3A_0 = arith.muli %arg0, %mul3A : i32
    %add3A = arith.addi %mul3A_0, %arg1 : i32
    %c0_i32 = arith.constant 0 : i32
    %c0_i32_1 = arith.constant 0 : i32
    return %c0_i32, %add3A : i32, i32
  }
  func.func @transform_3(%arg0: i32, %arg1: i32) -> (i32, i32) {
    %mul3A = arith.constant 4 : i32
    %mul3A_0 = arith.muli %arg0, %mul3A : i32
    %add3A = arith.addi %mul3A_0, %arg1 : i32
    %c0_i32 = arith.constant 0 : i32
    %c0_i32_1 = arith.constant 0 : i32
    return %c0_i32, %add3A : i32, i32
  }
  func.func @transform_4(%arg0: i32, %arg1: i32) -> (i32, i32, i32) {
    %c0_i32 = arith.constant 0 : i32
    %c0_i32_0 = arith.constant 0 : i32
    %c0_i32_1 = arith.constant 0 : i32
    return %arg0, %c0_i32, %c0_i32_0 : i32, i32, i32
  }
}

</mosaic_0001>

<sc_bundles>
// kernel: sparse-core-data-format-call.cloned.1.call-start
scs
called_computation_lowered:
.L_overlay_start_0:
0x0: {  	s2 =	sld [smem:$0x3FD9]  }
0x1: {  	s3 =	sld [smem:$0x3FFE];
	_ =	sdelay $0x1  }
0x2: {  	s1 =	srdreg.scid  }
0x3: {  	s0 =	sand.u32 $0x1, s1  }
0x4: {  	s15 =	sshll.u32 s0, $0xA;
	s2 =	sadd.s32 s3, s2  }
0x5: {  	s2 =	sadd.s32 s2, s15  }
0x6: {  	[smem:$0x3FC5] =	sst s2  }
0x7: {  	_ = 	snop  }
0x8: {  	s2 =	sld [smem:$0x3FD0];
	_ =	sdelay $0x2  }
0x9: {  	s16 =	simm.s32 $0xA;
	s4 =	simm.s32 $0x10  }
0xa: {  	[smem:s4], [sflag:s16] =	dma.local [hbm:s2], $0x1  }
0xb: {  	_ =	swait.eq [sflag:s16], $0x1  }
0xc: {  	[sflag:s16] =	ssyncset.done $0x0  }
0xd: {  	[sflag:s16] =	ssyncadd.s32 $0xFFFFFFFF  }
0xe: {  	s17 =	sld [smem:$0x11];
	(tm) =	ssettm $0x1  }
0xf: {  	s18 =	sld [smem:$0x3FFB];
	_ =	sdelay $0x3  }
0x10: {  	_ =	strace s18  }
0x11: {  	s3 =	sld [smem:$0x3FFC];
	_ =	sdelay $0x3  }
0x12: {  	_ =	strace s3  }
0x13: {  	s3 =	sld [smem:$0x3FFD];
	_ =	sdelay $0x3  }
0x14: {  	_ =	strace s3  }
0x15: {  	_ =	strace $0x8FFFFFFF  }
0x16: {  	s19 =	sld [smem:$0x3FDB];
	_ =	sdelay $0x1  }
0x17: {  	s20 =	simm.s32 $_scs_section_size  }
0x18: {  	s5 =	simm.s32 $_size__tile_overlayer_lowered;
	s6 =	simm.s32 $_tile_overlayer_lowered  }
0x19: {  	s23 =	simm.s32 $0x1BFF;
	s22 =	sshll.u32 s6, $0x1;
	s3 =	sadd.s32 s20, s19  }
0x1a: {  	s7 =	simm.s32 $0x0;
	s21 =	sshll.u32 s5, $0x1;
	s5 =	sadd.s32 s22, s3  }
0x1b: {  	[timem:s7], [sflag:s23] =	dma.local [hbm:s5], s21  }
0x1c: {  	_ =	swait.ge [sflag:s23], s21  }
0x1d: {  	s4 =	ssub.s32 $0x0, s21;
	[sflag:s23] =	ssyncset.done $0x0  }
0x1e: {  	[sflag:s23] =	ssyncadd.s32 s4;
	_ =	sdelay $0x1  }
0x1f: {  	s24 =	simm.s32 $0x1B8B  }
0x20: {  	_ =	swait.ge [sflag:s24], $0x1  }
0x21: {  	[sflag:s24] =	ssyncset.done $0x0  }
0x22: {  	s26 =	simm.s32 $0x1B8E;
	s25 =	sld [smem:$0x3FFE];
	[sflag:s24] =	ssyncadd.s32 $0xFFFFFFFF  }
0x23: {  	s27 =	simm.s32 $execute0_lowered;
	[smem:$0x3FD2] =	sst s26  }
0x24: {  	s5 =	sshll.u32 s27, $0x1;
	_ =	strace $0x80000046;
	[dreg:$0x1] =	wrdreg $0xFFFFFFFF  }
0x25: {  	s28 =	simm.s32 $_size_execute0_lowered;
	s3 =	sadd.s32 s3, s5;
	[dreg:$0x0] =	wrdreg $0x0  }
0x26: {  	s5 =	sshll.u32 s28, $0x1;
	[dreg:$0x2] =	wrdreg s3  }
0x27: {  	[dreg:$0x3] =	wrdreg s5  }
0x28: {  	[dreg:$0x4] =	wrdreg $0xC0  }
0x29: {  	_ =	task [dreg:s7], $0x5FFFF  }
0x2a: {  	[dreg:$0x1] =	wrdreg $0xFFFFFFFF  }
0x2b: {  	[dreg:$0x0] =	wrdreg $0x60  }
0x2c: {  	[dreg:$0x2] =	wrdreg s25  }
0x2d: {  	[dreg:$0x3] =	wrdreg s17  }
0x2e: {  	[dreg:$0x4] =	wrdreg $0x9  }
0x2f: {  	_ =	task.clear_ibuf [dreg:s7], $0x5FFFF;
	_ =	strace $0x90000046  }
0x30: {  	s29 =	simm.s32 $0x9;
	_ =	strace $0x80000048  }
0x31: {  	_ =	swait.ge [sflag:s29], $0x1  }
0x32: {  	[sflag:s29] =	ssyncadd.s32 $0xFFFFFFFF  }
0x33: {  	_ =	strace $0x90000048  }
0x34: {  	_ =	sfence  }
0x35: {  	s30 =	sld [smem:$0x0];
	_ =	sdelay $0x2  }
0x36: {  	s31 =	sshll.u32 s1, $0xD;
	s1 =	sshrl.u32 s1, $0x2  }
0x37: {  	s3 =	sand.u32 $0x4000, s31;
	s1 =	sadd.s32 s1, s30  }
0x38: {  	s0 =	sor.u32 s3, s0;
	s1 =	sshll.u32 s1, $0x11  }
0x39: {  	s0 =	sor.u32 s1, s0  }
0x3a: {  	s0 =	sadd.s32 $0x8F2B, s0  }
0x3b: {  	[sflag:s0] =	ssyncadd.remote.s32 $0x1  }
0x3c: {  	_ =	sfence.sel $0xFFFF  }
0x3d: {  	[dreg:$0x0] =	wrdreg $0xFFFFFFFF;
	(pc) =	sbr.abs _section_cstart, $3  }
0x3e: {  	[dreg:$0x1] =	wrdreg $0xFFFFFFFF  }
0x3f: {  	_ =	task.clear_ibuf [dreg:s7], $0x2FFFF;
	_ =	strace $0x9FFFFFFF  }
0x40: {  	(tm) =	ssettm $0x7FFFFFFF  }
0x41: {  	_ =	shalt  }
tec
execute0_lowered:
.L_overlay_start_1:
0x0: {  	(tag) =	ssettag $0x1  }
0x1: {  	s0 =	rddreg [dreg:$0x0]  }
0x2: {  	s1 =	srdreg.scid;
	s2 =	rddreg [dreg:$0x1];
	_ =	strace $0x80000047  }
0x3: {  	s5 =	simm.s32 $0x1;
	s7 =	simm.s32 $0x2;
	s15 =	simm.s32 $0x0  }
0x4: {  	s8 =	simm.s32 $0x40000;
	s9 =	simm.s32 $0x0;
	s16 =	simm.s32 $0x0  }
0x5: {  	s18 =	simm.s32 $0x0;
	s17 =	simm.s32 $0x0;
	s1 =	sshll.u32 s1, $0x8  }
0x6: {  	s10 =	simm.s32 $0x0;
	s12 =	simm.s32 $0x0;
	s3 =	sand.u32 $0x100, s1  }
.Ltmp0:
0x7: {  	s13 =	stileid.u32;
	s6 =	ssub.s32 $0x8000, s3;
	(pc) =	sbr.rel .LBB1_1-.Ltmp0, $4  }
0x8: {  	s14 =	simm.s32 $0x0;
	s24 =	simm.s32 $0x0;
	s31 =	sshrl.u32 s6, $0x8  }
0x9: {  	s4 =	sadd.s32 $0xA00, s0;
	s6 =	sshrl.u32 s6, $0x9;
	s0 =	sand.u32 $0x1, s31  }
0xa: {  	[sflag:s5] =	ssyncpa.u1 $0x0;
	s1 =	stileid.u32;
	s6 =	sadd.s32 s6, s0  }
0xb: {  	[sflag:s7] =	ssyncpa.u1 $0x0;
	s11 =	smov.u32 s3;
	s7 =	sadd.s32 $0x1, s6  }
.LBB1_7:
0xc: {  	s0 =	sadd.s32 $0x200, s11  }
0xd: {  	s15 =	sadd.s32 $0x8, s10;
	s19 =	smov.u32 s10;
	p1 =	sgt.s32 s0, $0x7FFF  }
0xe: {  	s19 =	smov.u32 @p1 s15  }
0xf: {  	s20 =	smov.u32 s12;
	s15 =	sadd.s32 $0x8, s12;
	p2 =	sgt.s32 s19, $0x7  }
0x10: {  	s20 =	smov.u32 @p2 s15  }
0x11: {  	s21 =	smov.u32 s13;
	s15 =	sadd.s32 $0x10, s13;
	p3 =	sgt.s32 s20, $0x7  }
0x12: {  	p0 =	slt.u32 s14, $0x2;
	s21 =	smov.u32 @p3 s15  }
0x13: {  	s16 =	smov.u32 s10;
	s0 =	smov.u32 @p1 s3;
	p1 =	sgt.s32 s21, $0xF  }
0x14: {  	s22 =	simm.s32 @!p0 $0x2;
	s21 =	smov.u32 @p1 s1;
	p1 =	sne.s32 s14, s7  }
.Ltmp1:
0x15: {  	s18 =	smov.u32 s12;
	_ =	swait.ge @!p0 [sflag:s22], $0x4000;
	(pc) =	sbr.rel @!p1 .LBB1_8-.Ltmp1, $4  }
0x16: {  	s17 =	smov.u32 s13;
	[sflag:s22] =	ssyncset.done @!p0 $0x0;
	s19 =	simm.s32 @p2 $0x0  }
0x17: {  	s9 =	sadd.s32 $0x4000, s9;
	[sflag:s22] =	ssyncadd.s32 @!p0 $0xFFFFC000;
	s10 =	smov.u32 s19  }
0x18: {  	s20 =	simm.s32 @p3 $0x0;
	s15 =	smov.u32 s11;
	s11 =	smov.u32 s0  }
0x19: {  	s12 =	smov.u32 s20;
	s14 =	sadd.s32 $0x1, s14;
	s13 =	smov.u32 s21  }
.LBB1_1:
0x1a: {  	p0 =	sge.u32 s14, s6  }
0x1b: {  	s31 =	sadd.s32 $0xFFFFFFFF, s14;
	s0 =	sxor.u32 @!p0 $0xFFFFFFFF, s14  }
0x1c: {  	s19 =	sshll.u32 @!p0 s10, $0x7;
	s20 =	sand.u32 @!p0 $0x78, s11;
	s21 =	sshll.u32 @!p0 s11, $0x3  }
0x1d: {  	s22 =	sand.u32 @!p0 $0x7000, s11;
	s0 =	sshll.u32 @!p0 s0, $0xE;
	s19 =	sand.u32 @!p0 $0x380, s19  }
0x1e: {  	s21 =	sand.u32 @!p0 $0x7C00, s21;
	s19 =	sor.u32 @!p0 s19, s20;
	s20 =	sshll.u32 @!p0 s13, $0x12  }
0x1f: {  	s19 =	sor.u32 @!p0 s21, s19;
	s21 =	sshll.u32 @!p0 s12, $0xF;
	s20 =	sadd.s32 @!p0 s4, s20  }
0x20: {  	s0 =	sand.u32 @!p0 $0x4000, s0;
	s20 =	sadd.s32 @!p0 s21, s20;
	s21 =	sand.u32 @!p0 $0x7, s11  }
0x21: {  	s19 =	sshrl.u32 @!p0 s19, $0x3;
	s20 =	sadd.s32 @!p0 s22, s20;
	s21 =	sshll.u32 @!p0 s21, $0x12  }
0x22: {  	s19 =	sadd.s32 @!p0 s19, s20;
	s20 =	sor.u32 @!p0 $0x800, s21;
	s21 =	simm.s32 @!p0 $0x40000  }
0x23: {  	[tilespmem:s0], [sflag:$0x1] =	stream.strided.gather @!p0 [hbm4b:s19+s20], $0x4000, s21, s20, $0x38;
	[tilespmem:$0x10000] =	vst v63  }
0x24: {  	p0 =	sge.u32 s31, s6  }
.Ltmp2:
0x25: {  	_ = 	snop;
	(pc) =	sbr.rel @p0 .LBB1_7-.Ltmp2, $1  }
0x26: {  	_ =	sdelay $0x3  }
0x27: {  	s0 =	sshll.u32 s9, $0x2;
	_ =	swait.ge [sflag:s5], $0x4000;
	s19 =	sshll.u32 s14, $0xE  }
0x28: {  	p0 =	por $0x0, $0x0;
	s25 =	simm.s32 $0x0;
	s26 =	simm.s32 $0x0  }
0x29: {  	s0 =	sand.u32 $0x10000, s0;
	[sflag:s5] =	ssyncset.done $0x0;
	s22 =	sand.u32 $0x4000, s19  }
0x2a: {  	s0 =	sshrl.u32 s0, $0x2;
	[sflag:s5] =	ssyncadd.s32 $0xFFFFC000;
	s19 =	sor.u32 $0x8000, s22  }
0x2b: {  	s20 =	sor.u32 $0x40, s0;
	s21 =	sor.u32 $0x8410, s0;
	s23 =	sadd.s32 $0x8400, s0  }
.LBB1_3:
0x2c: {  	v1 =	vld [tilespmem:s20+$0xFFFFFFD0]  }
0x2d: {  	v2 =	vld [tilespmem:s20+$0x430]  }
0x2e: {  	s0 =	sshll.u32 s26, $0xB;
	v4 =	vld [tilespmem:s20+$0xFFFFFFE0]  }
0x2f: {  	v7 =	vld [tilespmem:s20+$0xFFFFFFF0];
	v0 =	vmov s0  }
0x30: {  	v8 =	vld [tilespmem:s20+$0x0]  }
0x31: {  	v9 =	vld [tilespmem:s20+$0x10];
	s0 =	sand.u32 $0x300, s24  }
0x32: {  	s27 =	sand.u32 $0x80, s24;
	v10 =	vld [tilespmem:s20+$0x20];
	s0 =	sadd.s32 s0, s22  }
0x33: {  	v11 =	vld [tilespmem:s20+$0x30];
	s0 =	sadd.s32 s27, s0;
	s27 =	simm.s32 $0x1;
	[tilespmem:s21+$0x60] =	vst v2  }
0x34: {  	s27 =	simm.s32 @!p0 $0x0;
	[tilespmem:s21+$0xFFFFFC00] =	vst v1;
	v3 =	vld.idx.msk [tilespmem:v0+s0+$0x400 ss:$0x1], $0xffff;
	s0 =	sshll.u32 s25, $0x2  }
0x35: {  	v6 =	vld [tilespmem:s20+$0x3D0];
	s27 =	sshll.u32 s27, $0x9;
	[tilespmem:s21+$0xFFFFFC10] =	vst v4;
	s0 =	sand.u32 $0xFFFFFC00, s0  }
0x36: {  	v5 =	vld [tilespmem:s20+$0x3E0];
	[tilespmem:s21+$0xFFFFFC20] =	vst v7;
	s0 =	sor.u32 s27, s0  }
0x37: {  	[tilespmem:s21+$0xFFFFFC30] =	vst v8;
	v4 =	vld [tilespmem:s20+$0x400];
	s0 =	sshrl.u32 s0, $0x2  }
0x38: {  	[tilespmem:s21+$0xFFFFFC40] =	vst v9;
	v1 =	vld [tilespmem:s20+$0x410];
	s27 =	sadd.s32 s0, s23  }
0x39: {  	[tilespmem:s27+$0x0] =	vst v3;
	v3 =	vld [tilespmem:s20+$0x3F0]  }
0x3a: {  	s31 =	simm.s32 $0x80;
	s30 =	simm.s32 $0x100;
	[tilespmem:s21+$0xFFFFFC50] =	vst v10;
	v2 =	vld [tilespmem:s20+$0x420]  }
0x3b: {  	s28 =	sadd.s32 $0x80, s20;
	s29 =	smov.u32 s21;
	v7 =	vld [tilespmem:s20+$0xFFFFFFC0];
	[tilespmem:s21+$0xFFFFFC60] =	vst v11;
	s0 =	sand.u32 $0x300, s31  }
.LBB1_4:
0x3c: {  	p1 =	sne.s32 s30, $0x380;
	v8 =	vld [tilespmem:s28+$0xFFFFFFD0];
	s31 =	sand.u32 $0x80, s31;
	s0 =	sadd.s32 s0, s22;
	[tilespmem:s29+$0x0] =	vst v6  }
0x3d: {  	s0 =	sadd.s32 s31, s0;
	v6 =	vld [tilespmem:s28+$0x430];
	[tilespmem:s29+$0x10] =	vst v5;
	s31 =	smov.u32 s30  }
0x3e: {  	v5 =	vld.idx.msk [tilespmem:v0+s0+$0x400 ss:$0x1], $0xffff;
	[tilespmem:s29+$0x20] =	vst v3  }
0x3f: {  	v3 =	vld [tilespmem:s28+$0xFFFFFFE0];
	[tilespmem:s29+$0x30] =	vst v4  }
0x40: {  	v4 =	vld [tilespmem:s28+$0xFFFFFFF0];
	[tilespmem:s29+$0xFFFFFBF0] =	vst v7  }
0x41: {  	v7 =	vld [tilespmem:s28+$0x0];
	[tilespmem:s29+$0x40] =	vst v1  }
0x42: {  	v1 =	vld [tilespmem:s28+$0x10];
	[tilespmem:s29+$0x50] =	vst v2;
	s29 =	sadd.s32 $0x800, s29  }
0x43: {  	s27 =	sadd.s32 $0x800, s27;
	v2 =	vld [tilespmem:s28+$0x20];
	[tilespmem:s29+$0x60] =	vst v6  }
0x44: {  	v9 =	vld [tilespmem:s28+$0x30];
	[tilespmem:s27+$0x0] =	vst v5  }
0x45: {  	[tilespmem:s29+$0xFFFFFC00] =	vst v8;
	v6 =	vld [tilespmem:s28+$0x3D0]  }
0x46: {  	[tilespmem:s29+$0xFFFFFC10] =	vst v3;
	v5 =	vld [tilespmem:s28+$0x3E0]  }
.Ltmp3:
0x47: {  	[tilespmem:s29+$0xFFFFFC20] =	vst v4;
	v3 =	vld [tilespmem:s28+$0x3F0];
	(pc) =	sbr.rel @p1 .LBB1_4-.Ltmp3, $4  }
0x48: {  	[tilespmem:s29+$0xFFFFFC30] =	vst v7;
	v4 =	vld [tilespmem:s28+$0x400]  }
0x49: {  	[tilespmem:s29+$0xFFFFFC40] =	vst v1;
	v1 =	vld [tilespmem:s28+$0x410]  }
0x4a: {  	[tilespmem:s29+$0xFFFFFC50] =	vst v2;
	v2 =	vld [tilespmem:s28+$0x420]  }
0x4b: {  	s30 =	sadd.s32 $0x80, s30;
	s0 =	sand.u32 $0x300, s31;
	v7 =	vld [tilespmem:s28+$0xFFFFFFC0];
	[tilespmem:s29+$0xFFFFFC60] =	vst v9;
	s28 =	sadd.s32 $0x80, s28  }
0x4c: {  	[tilespmem:s29+$0x0] =	vst v6  }
0x4d: {  	[tilespmem:s29+$0x10] =	vst v5  }
0x4e: {  	v49 =	vld [tilespmem:s28+$0x430];
	[tilespmem:s29+$0x20] =	vst v3  }
0x4f: {  	v50 =	vld [tilespmem:s28+$0xFFFFFFD0];
	[tilespmem:s29+$0x30] =	vst v4  }
0x50: {  	v51 =	vld [tilespmem:s28+$0xFFFFFFE0];
	[tilespmem:s29+$0x40] =	vst v1  }
0x51: {  	v52 =	vld [tilespmem:s28+$0xFFFFFFF0];
	[tilespmem:s29+$0x50] =	vst v2  }
0x52: {  	s30 =	sand.u32 $0x80, s31;
	s31 =	sadd.s32 $0x800, s29;
	v53 =	vld [tilespmem:s28+$0x0];
	[tilespmem:s29+$0xFFFFFBF0] =	vst v7  }
0x53: {  	v54 =	vld [tilespmem:s28+$0x10];
	[tilespmem:s31+$0x60] =	vst v49  }
0x54: {  	v55 =	vld [tilespmem:s28+$0x20];
	[tilespmem:s31+$0xFFFFFC00] =	vst v50  }
0x55: {  	v56 =	vld [tilespmem:s28+$0x30];
	[tilespmem:s31+$0xFFFFFC10] =	vst v51  }
0x56: {  	v57 =	vld [tilespmem:s28+$0x3D0];
	[tilespmem:s31+$0xFFFFFC20] =	vst v52  }
0x57: {  	v58 =	vld [tilespmem:s28+$0x3E0];
	[tilespmem:s31+$0xFFFFFC30] =	vst v53  }
0x58: {  	v59 =	vld [tilespmem:s28+$0x3F0];
	[tilespmem:s31+$0xFFFFFC40] =	vst v54  }
0x59: {  	v60 =	vld [tilespmem:s28+$0x400];
	[tilespmem:s31+$0xFFFFFC50] =	vst v55  }
0x5a: {  	v61 =	vld [tilespmem:s28+$0xFFFFFFC0];
	[tilespmem:s31+$0xFFFFFC60] =	vst v56  }
0x5b: {  	s0 =	sadd.s32 s0, s22;
	v62 =	vld [tilespmem:s28+$0x410];
	[tilespmem:s31+$0x0] =	vst v57  }
0x5c: {  	v63 =	vld [tilespmem:s28+$0x420];
	s26 =	sadd.s32 $0x1, s26;
	s0 =	sadd.s32 s30, s0;
	[tilespmem:s31+$0x10] =	vst v58  }
0x5d: {  	p1 =	sne.s32 s26, $0x8;
	v0 =	vld.idx.msk [tilespmem:v0+s0+$0x400 ss:$0x1], $0xffff;
	[tilespmem:s31+$0x20] =	vst v59  }
.Ltmp4:
0x5e: {  	[tilespmem:s31+$0x30] =	vst v60;
	(pc) =	sbr.rel @p1 .LBB1_3-.Ltmp4, $4  }
0x5f: {  	[tilespmem:s31+$0xFFFFFBF0] =	vst v61  }
0x60: {  	[tilespmem:s31+$0x40] =	vst v62  }
0x61: {  	s27 =	sadd.s32 $0x800, s27;
	s20 =	sadd.s32 $0x800, s20;
	[tilespmem:s31+$0x50] =	vst v63  }
0x62: {  	s25 =	sadd.s32 $0x80, s25;
	p0 =	por !p0, !p0;
	s21 =	sadd.s32 $0x80, s21;
	[tilespmem:s27+$0x0] =	vst v0  }
0x63: {  	s0 =	sshll.u32 s18, $0x7;
	s29 =	sand.u32 $0x78, s15  }
0x64: {  	s20 =	sshll.u32 s15, $0x3;
	s17 =	sshll.u32 s17, $0x12;
	s16 =	sshll.u32 s16, $0xF  }
0x65: {  	s30 =	sand.u32 $0x7000, s15;
	s0 =	sand.u32 $0x380, s0;
	s20 =	sand.u32 $0x7C00, s20  }
.Ltmp5:
0x66: {  	s17 =	sadd.s32 s2, s17;
	s0 =	sor.u32 s0, s29;
	(pc) =	sbr.rel .LBB1_7-.Ltmp5, $4  }
0x67: {  	s31 =	sand.u32 $0x7, s15;
	s16 =	sadd.s32 s16, s17;
	s0 =	sor.u32 s20, s0  }
0x68: {  	s15 =	sshll.u32 s31, $0x12;
	s16 =	sadd.s32 s30, s16;
	s0 =	sshrl.u32 s0, $0x3  }
0x69: {  	s15 =	sor.u32 $0x800, s15;
	s0 =	sadd.s32 s0, s16  }
0x6a: {  	[hbm4b:s0+s15] =	stream.strided.scatter [tilespmem:s19], [sflag:$0x2], $0x4000, s8, s15, $0x38;
	[tilespmem:$0x10000] =	vst v63  }
.LBB1_8:
0x6b: {  	_ =	sfence.sel $0x180000  }
0x6c: {  	s0 =	simm.s32 $0x1;
	[bflag:$0x0] =	sbarrier.arrive $0xFFFF  }
0x6d: {  	s31 =	simm.s32 $0x2;
	[sflag:s0] =	ssyncpa.u1 $0x1  }
0x6e: {  	[sflag:s31] =	ssyncpa.u1 $0x1  }
0x6f: {  	_ =	strace $0x90000047  }
0x70: {  	[bflag:$0x2] =	sbarrier.arrive $0xFFFF  }
0x71: {  	p0 =	sne.s32 s1, $0x0;
	s0 =	rddreg [dreg:$0x2]  }
0x72: {  	s0 =	sadd.s32 @!p0 $0x100000, s0  }
0x73: {  	[sflag:s0] =	ssyncadd.tile.s32 @!p0 $0x1;
	_ =	shalt  }
.Lfunc_end1:
_tile_overlayer_lowered:
.L_overlay_start_2:
0x74: {  	(tag) =	ssettag $0x2  }
0x75: {  	s0 =	rddreg [dreg:$0x0];
	s2 =	stileid.u32  }
0x76: {  	s1 =	rddreg [dreg:$0x1];
	p0 =	sne.s32 s2, $0x0  }
0x77: {  	s3 =	rddreg [dreg:$0x2];
	[bflag:$0x3] =	sbarrier.arrive $0xFFFF;
	s2 =	simm.s32 @!p0 $0x1C01  }
0x78: {  	[timem:s3], [sflag:s2] =	dma.local @!p0 [hbm:s0], s1  }
0x79: {  	s0 =	simm.s32 @!p0 $0x1  }
0x7a: {  	_ =	swait.ge @!p0 [sflag:s0], s1  }
0x7b: {  	s1 =	ssub.s32 @!p0 $0x0, s1;
	[sflag:s0] =	ssyncset.done @!p0 $0x0  }
0x7c: {  	[sflag:s0] =	ssyncadd.s32 @!p0 s1  }
0x7d: {  	[bflag:$0x3] =	sbarrier.arrive $0xFFFF  }
0x7e: {  	_ =	shalt  }

</sc_bundles>
